<compile_context>
chip_gen: v7x
topology: tpu7x:2x2x1
jax: 0.10.2.dev20260603
libtpu: 0.0.44.dev20260713+nightly
codegen_flags: <defaults>
</compile_context>

<pallas_src>
import functools

import jax
import jax.numpy as jnp
from jax import lax
from jax.experimental import pallas as pl
from jax.experimental.pallas import tpu as pltpu
from jax.experimental.pallas import tpu_sc as plsc

_N = 10000
_E = 320000
_H = 128
_EPS = 1e-5

_NC = 2
_NS = 16
_NW = _NC * _NS
_CH = 128
_Q0 = 101
_Q1 = 56
_NCHUNKS_TOT = _NS * (_Q0 + _Q1)
_RPT = 632
_AGG_ROWS = _NS * _RPT


def _sc_agg_body(src_hbm, dst_hbm, table_hbm, zeros_hbm, out_hbm,
                 src_v, dst_v, rows_v, agg_sh, sem):
    c = lax.axis_index("c")
    s = lax.axis_index("s")
    wid = c * _NS + s
    pltpu.sync_copy(src_hbm.at[wid], src_v)
    pltpu.sync_copy(dst_hbm.at[wid], dst_v)
    base = s * _RPT
    pltpu.sync_copy(zeros_hbm, agg_sh.at[pl.ds(base, _RPT)])
    plsc.subcore_barrier()

    def chunk(j, carry):
        pltpu.async_copy(table_hbm.at[src_v.at[j]], rows_v, sem).wait()
        pltpu.sync_copy(rows_v, agg_sh.at[dst_v.at[j]], add=True)
        return carry

    nch = _Q0 - c * (_Q0 - _Q1)
    lax.fori_loop(0, nch, chunk, 0)
    plsc.subcore_barrier()
    pltpu.sync_copy(agg_sh.at[pl.ds(base, _RPT)],
                    out_hbm.at[c, pl.ds(base, _RPT)])


_sc_agg = pl.kernel(
    _sc_agg_body,
    out_type=jax.ShapeDtypeStruct((_NC, _AGG_ROWS, _H), jnp.float32),
    mesh=plsc.VectorSubcoreMesh(core_axis_name="c", subcore_axis_name="s"),
    scratch_types=[
        pltpu.VMEM((_Q0, _CH), jnp.int32),
        pltpu.VMEM((_Q0, _CH), jnp.int32),
        pltpu.VMEM((_CH, _H), jnp.float32),
        pltpu.VMEM_SHARED((_AGG_ROWS, _H), jnp.float32),
        pltpu.SemaphoreType.DMA,
    ],
)


def _style(h, wv, aW, ab, ns, noise):
    h = h + noise * ns
    st = jnp.dot(wv, aW, preferred_element_type=jnp.float32) + ab
    gamma = st[:, :_H]
    beta = st[:, _H:]
    mu = jnp.mean(h, axis=0, keepdims=True)
    d = h - mu
    var = jnp.mean(d * d, axis=0, keepdims=True)
    hn = d * lax.rsqrt(var + _EPS)
    o = gamma * hn + beta
    return jnp.where(o >= 0, o, 0.01 * o)


def _dense_body(parts_ref, x_ref, w_ref, edge_b_ref, c1W_ref, c1b_ref,
                c2W_ref, c2b_ref, nmW_ref, nmb_ref, nmaW_ref, nmab_ref,
                nmns_ref, nmnoise_ref, f1W_ref, f1b_ref, f1aW_ref, f1ab_ref,
                f1ns_ref, f1noise_ref, f2W_ref, f2b_ref, f2aW_ref, f2ab_ref,
                f2ns_ref, f2noise_ref, out_ref):
    parts = parts_ref[...]
    agg = parts[0, :_N, :] + parts[1, :_N, :] + edge_b_ref[...]
    out = agg + jnp.dot(agg, c1W_ref[...],
                        preferred_element_type=jnp.float32) + c1b_ref[...]
    xh = jnp.dot(x_ref[...], nmW_ref[...],
                 preferred_element_type=jnp.float32) + nmb_ref[...]
    xn = _style(xh, w_ref[...], nmaW_ref[...], nmab_ref[...],
                nmns_ref[...], nmnoise_ref[...])
    out = out + xn + jnp.dot(xn, c2W_ref[...],
                             preferred_element_type=jnp.float32) + c2b_ref[...]
    out = jnp.maximum(out, 0.0)
    h1 = jnp.dot(out, f1W_ref[...],
                 preferred_element_type=jnp.float32) + f1b_ref[...]
    out = _style(h1, w_ref[...], f1aW_ref[...], f1ab_ref[...],
                 f1ns_ref[...], f1noise_ref[...])
    h2 = jnp.dot(out, f2W_ref[...],
                 preferred_element_type=jnp.float32) + f2b_ref[...]
    out = _style(h2, w_ref[...], f2aW_ref[...], f2ab_ref[...],
                 f2ns_ref[...], f2noise_ref[...])
    out_ref[...] = out


_dense = pl.pallas_call(
    _dense_body,
    out_shape=jax.ShapeDtypeStruct((_N, _H), jnp.float32),
)


def kernel(x, edge_index, w, edge_W, edge_b, cat1_W, cat1_b, cat2_W, cat2_b,
           nm_W, nm_b, nm_aW, nm_ab, nm_ns, nm_noise, f1_W, f1_b, f1_aW,
           f1_ab, f1_ns, f1_noise, f2_W, f2_b, f2_aW, f2_ab, f2_ns, f2_noise):
    src = edge_index[0]
    dst = edge_index[1]
    pad = _NCHUNKS_TOT * _CH - _E

    def _layout(a, fill):
        a = jnp.concatenate([a, jnp.full((pad,), fill, jnp.int32)])
        a0 = a[:_NS * _Q0 * _CH].reshape(_NS, _Q0, _CH)
        a1 = a[_NS * _Q0 * _CH:].reshape(_NS, _Q1, _CH)
        a1 = jnp.pad(a1, ((0, 0), (0, _Q0 - _Q1), (0, 0)),
                     constant_values=fill)
        return jnp.concatenate([a0, a1], axis=0)

    srcp = _layout(src, 0)
    dstp = _layout(dst, _N)
    zeros = jnp.zeros((_RPT, _H), jnp.float32)
    parts = _sc_agg(srcp, dstp, edge_W, zeros)
    return _dense(parts, x, w,
                  edge_b.reshape(1, _H), cat1_W, cat1_b.reshape(1, _H),
                  cat2_W, cat2_b.reshape(1, _H), nm_W, nm_b.reshape(1, _H),
                  nm_aW, nm_ab.reshape(1, 2 * _H), nm_ns.reshape(1, 1),
                  nm_noise, f1_W, f1_b.reshape(1, _H), f1_aW,
                  f1_ab.reshape(1, 2 * _H), f1_ns.reshape(1, 1), f1_noise,
                  f2_W, f2_b.reshape(1, _H), f2_aW, f2_ab.reshape(1, 2 * _H),
                  f2_ns.reshape(1, 1), f2_noise)

# --- scband reference (transcript-rebuilt; emitter-appended) ---
"""Pipeline reference for scband-style-linkx-31774168056059 (READ-ONLY COPY).

The authoritative reference and input builder live on the scoring server;
editing this copy changes nothing except your own understanding.
"""

import jax, jax.numpy as jnp
import numpy as np

N = 10000
E = 320000
D = 128
H = 128
WD = 128
EPS = 1e-5


def _style_layer(x, w, W, b, aW, ab, ns, noise):
    # StyleLinearLayer: linear -> additive noise*strength -> AdaptivePointNorm -> LeakyReLU(0.01)
    x = x @ W + b
    x = x + noise * ns
    style = w @ aW + ab  # [1, 2C]
    gamma, beta = jnp.split(style, 2, axis=1)
    mu = jnp.mean(x, axis=0, keepdims=True)
    var = jnp.var(x, axis=0, keepdims=True)
    xn = (x - mu) / jnp.sqrt(var + EPS)  # InstanceNorm over node dim, no affine
    out = gamma * xn + beta
    return jnp.where(out >= 0, out, 0.01 * out)


def _adain_bias(c):
    # affine bias init: first half ones (gamma), second half zeros (beta)
    return jnp.concatenate([jnp.ones((c,), jnp.float32), jnp.zeros((c,), jnp.float32)])


def setup_inputs(seed: int = 0) -> dict:
    key = jax.random.key(seed)
    ks = jax.random.split(key, 16)
    inp = {}
    inp["x"] = jax.random.normal(ks[0], (N, D), jnp.float32)
    inp["edge_index"] = jax.random.randint(ks[1], (2, E), 0, N, jnp.int32)
    inp["w"] = jax.random.normal(ks[2], (1, WD), jnp.float32)
    inp["edge_W"] = jax.random.normal(ks[3], (N, H), jnp.float32) * 0.02
    inp["edge_b"] = jnp.zeros((H,), jnp.float32)
    inp["cat1_W"] = jax.random.normal(ks[4], (H, H), jnp.float32) * 0.05
    inp["cat1_b"] = jnp.zeros((H,), jnp.float32)
    inp["cat2_W"] = jax.random.normal(ks[5], (H, H), jnp.float32) * 0.05
    inp["cat2_b"] = jnp.zeros((H,), jnp.float32)
    inp["nm_W"] = jax.random.normal(ks[6], (D, H), jnp.float32) * 0.05
    inp["nm_b"] = jnp.zeros((H,), jnp.float32)
    inp["nm_aW"] = jax.random.normal(ks[7], (WD, 2 * H), jnp.float32)
    inp["nm_ab"] = _adain_bias(H)
    inp["nm_ns"] = jnp.zeros((1,), jnp.float32)
    inp["nm_noise"] = jax.random.normal(ks[8], (1, H), jnp.float32)
    inp["f1_W"] = jax.random.normal(ks[9], (H, H), jnp.float32) * 0.05
    inp["f1_b"] = jnp.zeros((H,), jnp.float32)
    inp["f1_aW"] = jax.random.normal(ks[10], (WD, 2 * H), jnp.float32)
    inp["f1_ab"] = _adain_bias(H)
    inp["f1_ns"] = jnp.zeros((1,), jnp.float32)
    inp["f1_noise"] = jax.random.normal(ks[11], (1, H), jnp.float32)
    inp["f2_W"] = jax.random.normal(ks[12], (H, H), jnp.float32) * 0.05
    inp["f2_b"] = jnp.zeros((H,), jnp.float32)
    inp["f2_aW"] = jax.random.normal(ks[13], (WD, 2 * H), jnp.float32)
    inp["f2_ab"] = _adain_bias(H)
    inp["f2_ns"] = jnp.zeros((1,), jnp.float32)
    inp["f2_noise"] = jax.random.normal(ks[14], (1, H), jnp.float32)
    return inp


def reference(x, edge_index, w, edge_W, edge_b, cat1_W, cat1_b, cat2_W, cat2_b, nm_W, nm_b, nm_aW, nm_ab, nm_ns, nm_noise, f1_W, f1_b, f1_aW, f1_ab, f1_ns, f1_noise, f2_W, f2_b, f2_aW, f2_ab, f2_ns, f2_noise):
    src = edge_index[0]
    dst = edge_index[1]
    # SparseLinear (LINKX): out[dst] += weight[src]; plus bias -> spmm(A, W)
    agg = jnp.zeros((N, H), jnp.float32).at[dst].add(jnp.take(edge_W, src, axis=0)) + edge_b
    out = agg + (agg @ cat1_W + cat1_b)
    xn = _style_layer(x, w, nm_W, nm_b, nm_aW, nm_ab, nm_ns, nm_noise)
    out = out + xn + (xn @ cat2_W + cat2_b)
    out = jnp.maximum(out, 0.0)
    out = _style_layer(out, w, f1_W, f1_b, f1_aW, f1_ab, f1_ns, f1_noise)
    out = _style_layer(out, w, f2_W, f2_b, f2_aW, f2_ab, f2_ns, f2_noise)
    return out

if __name__ == "__main__":
    import jax
    _d = setup_inputs()
    print(jax.jit(kernel)(*tuple(_d.values())))

</pallas_src>

<mosaic_0001>
#map = affine_map<(d0, d1) -> (0, 0, 0)>
#map1 = affine_map<(d0, d1) -> (0, 0)>
module attributes {stable_mosaic.version = 14 : i64} {
  func.func @_sc_agg_body(%arg0: i32, %arg1: i32, %arg2: memref<32x101x128xi32, #tpu.memory_space<hbm>>, %arg3: memref<32x101x128xi32, #tpu.memory_space<hbm>>, %arg4: memref<10000x128xf32, #tpu.memory_space<hbm>>, %arg5: memref<632x128xf32, #tpu.memory_space<hbm>>, %arg6: memref<2x10112x128xf32, #tpu.memory_space<hbm>>, %arg7: memref<101x128xi32, #tpu.memory_space<vmem>>, %arg8: memref<101x128xi32, #tpu.memory_space<vmem>>, %arg9: memref<128x128xf32, #tpu.memory_space<vmem>>, %arg10: memref<10112x128xf32, #tpu.memory_space<vmem_shared>>, %arg11: memref<!tpu.dma_semaphore, #tpu.memory_space<semaphore_mem>>) attributes {dimension_semantics = [#tpu.dimension_semantics<core_parallel>, #tpu.dimension_semantics<subcore_parallel>], iteration_bounds = array<i64: 2, 16>, scalar_prefetch = 0 : i64, scratch_operands = 5 : i64, tpu.core_type = #tpu.core_type<sc_vector_subcore>, window_params = [{transform_indices = #map}, {transform_indices = #map}, {transform_indices = #map1}, {transform_indices = #map1}, {transform_indices = #map}]} {
    %mul3A = arith.constant 16 : i32
    %mul3A_0 = arith.muli %arg0, %mul3A : i32
    %add3A = arith.addi %mul3A_0, %arg1 : i32
    "tpu.region"() ({
      %run_scoped3A = tpu.sem_alloc : memref<!tpu.dma_semaphore, #tpu.memory_space<semaphore_mem>>
      %dma_start3A = arith.constant 0 : i32
      %dma_start3A_16 = arith.constant 0 : i32
      %dma_start3A_17 = tpu.memref_slice %arg2[%add3A, %dma_start3A, %dma_start3A_16] : memref<32x101x128xi32, #tpu.memory_space<hbm>> -> memref<1x101x128xi32, #tpu.memory_space<hbm>>
      %dma_start3A_18 = tpu.memref_squeeze %dma_start3A_17 : memref<1x101x128xi32, #tpu.memory_space<hbm>> -> memref<101x128xi32, #tpu.memory_space<hbm>>
      %dma_start3A_19 = arith.constant 0 : i32
      %dma_start3A_20 = arith.constant 0 : i32
      %dma_start3A_21 = tpu.memref_slice %arg2[%add3A, %dma_start3A_19, %dma_start3A_20] : memref<32x101x128xi32, #tpu.memory_space<hbm>> -> memref<1x101x128xi32, #tpu.memory_space<hbm>>
      %dma_start3A_22 = tpu.memref_squeeze %dma_start3A_21 : memref<1x101x128xi32, #tpu.memory_space<hbm>> -> memref<101x128xi32, #tpu.memory_space<hbm>>
      tpu.enqueue_dma source(%dma_start3A_22 : memref<101x128xi32, #tpu.memory_space<hbm>>) target(%arg7 : memref<101x128xi32, #tpu.memory_space<vmem>>) target_semaphore(%run_scoped3A : memref<!tpu.dma_semaphore, #tpu.memory_space<semaphore_mem>>)
      %dma_wait3A = arith.constant 0 : i32
      %dma_wait3A_23 = arith.constant 0 : i32
      %dma_wait3A_24 = tpu.memref_slice %arg2[%add3A, %dma_wait3A, %dma_wait3A_23] : memref<32x101x128xi32, #tpu.memory_space<hbm>> -> memref<1x101x128xi32, #tpu.memory_space<hbm>>
      %dma_wait3A_25 = tpu.memref_squeeze %dma_wait3A_24 : memref<1x101x128xi32, #tpu.memory_space<hbm>> -> memref<101x128xi32, #tpu.memory_space<hbm>>
      %dma_wait3A_26 = arith.constant 0 : i32
      %dma_wait3A_27 = arith.constant 0 : i32
      %dma_wait3A_28 = tpu.memref_slice %arg2[%add3A, %dma_wait3A_26, %dma_wait3A_27] : memref<32x101x128xi32, #tpu.memory_space<hbm>> -> memref<1x101x128xi32, #tpu.memory_space<hbm>>
      %dma_wait3A_29 = tpu.memref_squeeze %dma_wait3A_28 : memref<1x101x128xi32, #tpu.memory_space<hbm>> -> memref<101x128xi32, #tpu.memory_space<hbm>>
      tpu.wait_dma2 semaphore(%run_scoped3A : memref<!tpu.dma_semaphore, #tpu.memory_space<semaphore_mem>>) src(%dma_wait3A_29 : memref<101x128xi32, #tpu.memory_space<hbm>>) dst(%arg7 : memref<101x128xi32, #tpu.memory_space<vmem>>)
      tpu.yield
    }) : () -> ()
    "tpu.region"() ({
      %run_scoped3A = tpu.sem_alloc : memref<!tpu.dma_semaphore, #tpu.memory_space<semaphore_mem>>
      %dma_start3A = arith.constant 0 : i32
      %dma_start3A_16 = arith.constant 0 : i32
      %dma_start3A_17 = tpu.memref_slice %arg3[%add3A, %dma_start3A, %dma_start3A_16] : memref<32x101x128xi32, #tpu.memory_space<hbm>> -> memref<1x101x128xi32, #tpu.memory_space<hbm>>
      %dma_start3A_18 = tpu.memref_squeeze %dma_start3A_17 : memref<1x101x128xi32, #tpu.memory_space<hbm>> -> memref<101x128xi32, #tpu.memory_space<hbm>>
      %dma_start3A_19 = arith.constant 0 : i32
      %dma_start3A_20 = arith.constant 0 : i32
      %dma_start3A_21 = tpu.memref_slice %arg3[%add3A, %dma_start3A_19, %dma_start3A_20] : memref<32x101x128xi32, #tpu.memory_space<hbm>> -> memref<1x101x128xi32, #tpu.memory_space<hbm>>
      %dma_start3A_22 = tpu.memref_squeeze %dma_start3A_21 : memref<1x101x128xi32, #tpu.memory_space<hbm>> -> memref<101x128xi32, #tpu.memory_space<hbm>>
      tpu.enqueue_dma source(%dma_start3A_22 : memref<101x128xi32, #tpu.memory_space<hbm>>) target(%arg8 : memref<101x128xi32, #tpu.memory_space<vmem>>) target_semaphore(%run_scoped3A : memref<!tpu.dma_semaphore, #tpu.memory_space<semaphore_mem>>)
      %dma_wait3A = arith.constant 0 : i32
      %dma_wait3A_23 = arith.constant 0 : i32
      %dma_wait3A_24 = tpu.memref_slice %arg3[%add3A, %dma_wait3A, %dma_wait3A_23] : memref<32x101x128xi32, #tpu.memory_space<hbm>> -> memref<1x101x128xi32, #tpu.memory_space<hbm>>
      %dma_wait3A_25 = tpu.memref_squeeze %dma_wait3A_24 : memref<1x101x128xi32, #tpu.memory_space<hbm>> -> memref<101x128xi32, #tpu.memory_space<hbm>>
      %dma_wait3A_26 = arith.constant 0 : i32
      %dma_wait3A_27 = arith.constant 0 : i32
      %dma_wait3A_28 = tpu.memref_slice %arg3[%add3A, %dma_wait3A_26, %dma_wait3A_27] : memref<32x101x128xi32, #tpu.memory_space<hbm>> -> memref<1x101x128xi32, #tpu.memory_space<hbm>>
      %dma_wait3A_29 = tpu.memref_squeeze %dma_wait3A_28 : memref<1x101x128xi32, #tpu.memory_space<hbm>> -> memref<101x128xi32, #tpu.memory_space<hbm>>
      tpu.wait_dma2 semaphore(%run_scoped3A : memref<!tpu.dma_semaphore, #tpu.memory_space<semaphore_mem>>) src(%dma_wait3A_29 : memref<101x128xi32, #tpu.memory_space<hbm>>) dst(%arg8 : memref<101x128xi32, #tpu.memory_space<vmem>>)
      tpu.yield
    }) : () -> ()
    %mul3A_1 = arith.constant 632 : i32
    %mul3A_2 = arith.muli %arg1, %mul3A_1 : i32
    "tpu.region"() ({
      %run_scoped3A = tpu.sem_alloc : memref<!tpu.dma_semaphore, #tpu.memory_space<semaphore_mem>>
      %dma_start3A = arith.constant 0 : i32
      %dma_start3A_16 = tpu.memref_slice %arg10[%mul3A_2, %dma_start3A] : memref<10112x128xf32, #tpu.memory_space<vmem_shared>> -> memref<632x128xf32, #tpu.memory_space<vmem_shared>>
      tpu.enqueue_dma source(%arg5 : memref<632x128xf32, #tpu.memory_space<hbm>>) target(%dma_start3A_16 : memref<632x128xf32, #tpu.memory_space<vmem_shared>>) target_semaphore(%run_scoped3A : memref<!tpu.dma_semaphore, #tpu.memory_space<semaphore_mem>>)
      %dma_wait3A = arith.constant 0 : i32
      %dma_wait3A_17 = tpu.memref_slice %arg10[%mul3A_2, %dma_wait3A] : memref<10112x128xf32, #tpu.memory_space<vmem_shared>> -> memref<632x128xf32, #tpu.memory_space<vmem_shared>>
      tpu.wait_dma2 semaphore(%run_scoped3A : memref<!tpu.dma_semaphore, #tpu.memory_space<semaphore_mem>>) src(%arg5 : memref<632x128xf32, #tpu.memory_space<hbm>>) dst(%dma_wait3A_17 : memref<632x128xf32, #tpu.memory_space<vmem_shared>>)
      tpu.yield
    }) : () -> ()
    %barrier3A = arith.constant 0 : index
    tpu.barrier barrier_id(%barrier3A)
    %mul3A_3 = arith.constant 45 : i32
    %mul3A_4 = arith.muli %arg0, %mul3A_3 : i32
    %sub3A = arith.constant 101 : i32
    %sub3A_5 = arith.subi %sub3A, %mul3A_4 : i32
    %while3A = arith.constant 0 : i32
    %while3A_6 = arith.constant 0 : i32
    %while3A_7 = arith.subi %sub3A_5, %while3A_6 : i32
    %while3A_8 = arith.addi %while3A_6, %while3A_7 : i32
    %while3A_9 = arith.constant 1 : i32
    %while3A_10 = arith.divsi %while3A_7, %while3A_9 : i32
    %while3A_11 = arith.muli %while3A_10, %while3A_9 : i32
    %while3A_12 = arith.addi %while3A_6, %while3A_11 : i32
    %while3A_13 = arith.constant 1 : i32
    scf.for %while3A_16 = %while3A_6 to %while3A_12 step %while3A_13  : i32 {
      %dma_start3A = arith.constant 0 : i32
      %dma_start3A_17 = tpu.memref_slice %arg7[%while3A_16, %dma_start3A] : memref<101x128xi32, #tpu.memory_space<vmem>> -> memref<1x128xi32, #tpu.memory_space<vmem>>
      %dma_start3A_18 = tpu.memref_squeeze %dma_start3A_17 : memref<1x128xi32, #tpu.memory_space<vmem>> -> memref<128xi32, #tpu.memory_space<vmem>>
      %dma_start3A_19 = arith.constant 0 : i32
      %dma_start3A_20 = arith.constant 0 : i32
      %dma_start3A_21 = tpu.memref_slice %arg4[%dma_start3A_19, %dma_start3A_20] : memref<10000x128xf32, #tpu.memory_space<hbm>> -> memref<10000x128xf32, #tpu.memory_space<hbm>>
      tpu.enqueue_indirect_dma source(%dma_start3A_21 : memref<10000x128xf32, #tpu.memory_space<hbm>>) target(%arg9 : memref<128x128xf32, #tpu.memory_space<vmem>>) offsets(%dma_start3A_18 : memref<128xi32, #tpu.memory_space<vmem>>) semaphore(%arg11 : memref<!tpu.dma_semaphore, #tpu.memory_space<semaphore_mem>>)
      %dma_wait3A = arith.constant 0 : i32
      %dma_wait3A_22 = tpu.memref_slice %arg7[%while3A_16, %dma_wait3A] : memref<101x128xi32, #tpu.memory_space<vmem>> -> memref<1x128xi32, #tpu.memory_space<vmem>>
      %dma_wait3A_23 = tpu.memref_squeeze %dma_wait3A_22 : memref<1x128xi32, #tpu.memory_space<vmem>> -> memref<128xi32, #tpu.memory_space<vmem>>
      %dma_wait3A_24 = arith.constant 0 : i32
      %dma_wait3A_25 = arith.constant 0 : i32
      %dma_wait3A_26 = tpu.memref_slice %arg4[%dma_wait3A_24, %dma_wait3A_25] : memref<10000x128xf32, #tpu.memory_space<hbm>> -> memref<10000x128xf32, #tpu.memory_space<hbm>>
      tpu.wait_indirect_dma semaphore(%arg11 : memref<!tpu.dma_semaphore, #tpu.memory_space<semaphore_mem>>) src(%dma_wait3A_26 : memref<10000x128xf32, #tpu.memory_space<hbm>>) dst(%arg9 : memref<128x128xf32, #tpu.memory_space<vmem>>)
      "tpu.region"() ({
        %run_scoped3A = tpu.sem_alloc : memref<!tpu.dma_semaphore, #tpu.memory_space<semaphore_mem>>
        %dma_start3A_27 = arith.constant 0 : i32
        %dma_start3A_28 = tpu.memref_slice %arg8[%while3A_16, %dma_start3A_27] : memref<101x128xi32, #tpu.memory_space<vmem>> -> memref<1x128xi32, #tpu.memory_space<vmem>>
        %dma_start3A_29 = tpu.memref_squeeze %dma_start3A_28 : memref<1x128xi32, #tpu.memory_space<vmem>> -> memref<128xi32, #tpu.memory_space<vmem>>
        %dma_start3A_30 = arith.constant 0 : i32
        %dma_start3A_31 = arith.constant 0 : i32
        %dma_start3A_32 = tpu.memref_slice %arg10[%dma_start3A_30, %dma_start3A_31] : memref<10112x128xf32, #tpu.memory_space<vmem_shared>> -> memref<10112x128xf32, #tpu.memory_space<vmem_shared>>
        tpu.enqueue_indirect_dma source(%arg9 : memref<128x128xf32, #tpu.memory_space<vmem>>) target(%dma_start3A_32 : memref<10112x128xf32, #tpu.memory_space<vmem_shared>>) offsets(%dma_start3A_29 : memref<128xi32, #tpu.memory_space<vmem>>) semaphore(%run_scoped3A : memref<!tpu.dma_semaphore, #tpu.memory_space<semaphore_mem>>) {add = true}
        %dma_wait3A_33 = arith.constant 0 : i32
        %dma_wait3A_34 = tpu.memref_slice %arg8[%while3A_16, %dma_wait3A_33] : memref<101x128xi32, #tpu.memory_space<vmem>> -> memref<1x128xi32, #tpu.memory_space<vmem>>
        %dma_wait3A_35 = tpu.memref_squeeze %dma_wait3A_34 : memref<1x128xi32, #tpu.memory_space<vmem>> -> memref<128xi32, #tpu.memory_space<vmem>>
        %dma_wait3A_36 = arith.constant 0 : i32
        %dma_wait3A_37 = arith.constant 0 : i32
        %dma_wait3A_38 = tpu.memref_slice %arg10[%dma_wait3A_36, %dma_wait3A_37] : memref<10112x128xf32, #tpu.memory_space<vmem_shared>> -> memref<10112x128xf32, #tpu.memory_space<vmem_shared>>
        tpu.wait_indirect_dma semaphore(%run_scoped3A : memref<!tpu.dma_semaphore, #tpu.memory_space<semaphore_mem>>) src(%arg9 : memref<128x128xf32, #tpu.memory_space<vmem>>) dst(%dma_wait3A_38 : memref<10112x128xf32, #tpu.memory_space<vmem_shared>>)
        tpu.yield
      }) : () -> ()
    }
    %while3A_14 = arith.constant 1 : i32
    scf.for %while3A_16 = %while3A_12 to %while3A_8 step %while3A_14  : i32 {
      %dma_start3A = arith.constant 0 : i32
      %dma_start3A_17 = tpu.memref_slice %arg7[%while3A_16, %dma_start3A] : memref<101x128xi32, #tpu.memory_space<vmem>> -> memref<1x128xi32, #tpu.memory_space<vmem>>
      %dma_start3A_18 = tpu.memref_squeeze %dma_start3A_17 : memref<1x128xi32, #tpu.memory_space<vmem>> -> memref<128xi32, #tpu.memory_space<vmem>>
      %dma_start3A_19 = arith.constant 0 : i32
      %dma_start3A_20 = arith.constant 0 : i32
      %dma_start3A_21 = tpu.memref_slice %arg4[%dma_start3A_19, %dma_start3A_20] : memref<10000x128xf32, #tpu.memory_space<hbm>> -> memref<10000x128xf32, #tpu.memory_space<hbm>>
      tpu.enqueue_indirect_dma source(%dma_start3A_21 : memref<10000x128xf32, #tpu.memory_space<hbm>>) target(%arg9 : memref<128x128xf32, #tpu.memory_space<vmem>>) offsets(%dma_start3A_18 : memref<128xi32, #tpu.memory_space<vmem>>) semaphore(%arg11 : memref<!tpu.dma_semaphore, #tpu.memory_space<semaphore_mem>>)
      %dma_wait3A = arith.constant 0 : i32
      %dma_wait3A_22 = tpu.memref_slice %arg7[%while3A_16, %dma_wait3A] : memref<101x128xi32, #tpu.memory_space<vmem>> -> memref<1x128xi32, #tpu.memory_space<vmem>>
      %dma_wait3A_23 = tpu.memref_squeeze %dma_wait3A_22 : memref<1x128xi32, #tpu.memory_space<vmem>> -> memref<128xi32, #tpu.memory_space<vmem>>
      %dma_wait3A_24 = arith.constant 0 : i32
      %dma_wait3A_25 = arith.constant 0 : i32
      %dma_wait3A_26 = tpu.memref_slice %arg4[%dma_wait3A_24, %dma_wait3A_25] : memref<10000x128xf32, #tpu.memory_space<hbm>> -> memref<10000x128xf32, #tpu.memory_space<hbm>>
      tpu.wait_indirect_dma semaphore(%arg11 : memref<!tpu.dma_semaphore, #tpu.memory_space<semaphore_mem>>) src(%dma_wait3A_26 : memref<10000x128xf32, #tpu.memory_space<hbm>>) dst(%arg9 : memref<128x128xf32, #tpu.memory_space<vmem>>)
      "tpu.region"() ({
        %run_scoped3A = tpu.sem_alloc : memref<!tpu.dma_semaphore, #tpu.memory_space<semaphore_mem>>
        %dma_start3A_27 = arith.constant 0 : i32
        %dma_start3A_28 = tpu.memref_slice %arg8[%while3A_16, %dma_start3A_27] : memref<101x128xi32, #tpu.memory_space<vmem>> -> memref<1x128xi32, #tpu.memory_space<vmem>>
        %dma_start3A_29 = tpu.memref_squeeze %dma_start3A_28 : memref<1x128xi32, #tpu.memory_space<vmem>> -> memref<128xi32, #tpu.memory_space<vmem>>
        %dma_start3A_30 = arith.constant 0 : i32
        %dma_start3A_31 = arith.constant 0 : i32
        %dma_start3A_32 = tpu.memref_slice %arg10[%dma_start3A_30, %dma_start3A_31] : memref<10112x128xf32, #tpu.memory_space<vmem_shared>> -> memref<10112x128xf32, #tpu.memory_space<vmem_shared>>
        tpu.enqueue_indirect_dma source(%arg9 : memref<128x128xf32, #tpu.memory_space<vmem>>) target(%dma_start3A_32 : memref<10112x128xf32, #tpu.memory_space<vmem_shared>>) offsets(%dma_start3A_29 : memref<128xi32, #tpu.memory_space<vmem>>) semaphore(%run_scoped3A : memref<!tpu.dma_semaphore, #tpu.memory_space<semaphore_mem>>) {add = true}
        %dma_wait3A_33 = arith.constant 0 : i32
        %dma_wait3A_34 = tpu.memref_slice %arg8[%while3A_16, %dma_wait3A_33] : memref<101x128xi32, #tpu.memory_space<vmem>> -> memref<1x128xi32, #tpu.memory_space<vmem>>
        %dma_wait3A_35 = tpu.memref_squeeze %dma_wait3A_34 : memref<1x128xi32, #tpu.memory_space<vmem>> -> memref<128xi32, #tpu.memory_space<vmem>>
        %dma_wait3A_36 = arith.constant 0 : i32
        %dma_wait3A_37 = arith.constant 0 : i32
        %dma_wait3A_38 = tpu.memref_slice %arg10[%dma_wait3A_36, %dma_wait3A_37] : memref<10112x128xf32, #tpu.memory_space<vmem_shared>> -> memref<10112x128xf32, #tpu.memory_space<vmem_shared>>
        tpu.wait_indirect_dma semaphore(%run_scoped3A : memref<!tpu.dma_semaphore, #tpu.memory_space<semaphore_mem>>) src(%arg9 : memref<128x128xf32, #tpu.memory_space<vmem>>) dst(%dma_wait3A_38 : memref<10112x128xf32, #tpu.memory_space<vmem_shared>>)
        tpu.yield
      }) : () -> ()
    }
    %barrier3A_15 = arith.constant 0 : index
    tpu.barrier barrier_id(%barrier3A_15)
    "tpu.region"() ({
      %run_scoped3A = tpu.sem_alloc : memref<!tpu.dma_semaphore, #tpu.memory_space<semaphore_mem>>
      %dma_start3A = arith.constant 0 : i32
      %dma_start3A_16 = tpu.memref_slice %arg6[%arg0, %mul3A_2, %dma_start3A] : memref<2x10112x128xf32, #tpu.memory_space<hbm>> -> memref<1x632x128xf32, #tpu.memory_space<hbm>>
      %dma_start3A_17 = tpu.memref_squeeze %dma_start3A_16 : memref<1x632x128xf32, #tpu.memory_space<hbm>> -> memref<632x128xf32, #tpu.memory_space<hbm>>
      %dma_start3A_18 = arith.constant 0 : i32
      %dma_start3A_19 = tpu.memref_slice %arg10[%mul3A_2, %dma_start3A_18] : memref<10112x128xf32, #tpu.memory_space<vmem_shared>> -> memref<632x128xf32, #tpu.memory_space<vmem_shared>>
      tpu.enqueue_dma source(%dma_start3A_19 : memref<632x128xf32, #tpu.memory_space<vmem_shared>>) target(%dma_start3A_17 : memref<632x128xf32, #tpu.memory_space<hbm>>) target_semaphore(%run_scoped3A : memref<!tpu.dma_semaphore, #tpu.memory_space<semaphore_mem>>)
      %dma_wait3A = arith.constant 0 : i32
      %dma_wait3A_20 = tpu.memref_slice %arg6[%arg0, %mul3A_2, %dma_wait3A] : memref<2x10112x128xf32, #tpu.memory_space<hbm>> -> memref<1x632x128xf32, #tpu.memory_space<hbm>>
      %dma_wait3A_21 = tpu.memref_squeeze %dma_wait3A_20 : memref<1x632x128xf32, #tpu.memory_space<hbm>> -> memref<632x128xf32, #tpu.memory_space<hbm>>
      %dma_wait3A_22 = arith.constant 0 : i32
      %dma_wait3A_23 = tpu.memref_slice %arg10[%mul3A_2, %dma_wait3A_22] : memref<10112x128xf32, #tpu.memory_space<vmem_shared>> -> memref<632x128xf32, #tpu.memory_space<vmem_shared>>
      tpu.wait_dma2 semaphore(%run_scoped3A : memref<!tpu.dma_semaphore, #tpu.memory_space<semaphore_mem>>) src(%dma_wait3A_23 : memref<632x128xf32, #tpu.memory_space<vmem_shared>>) dst(%dma_wait3A_21 : memref<632x128xf32, #tpu.memory_space<hbm>>)
      tpu.yield
    }) : () -> ()
    return
  }
}

module attributes {stable_mosaic.version = 14 : i64} {
  func.func @_dense_body(%arg0: memref<2x10112x128xf32, #tpu.memory_space<vmem>>, %arg1: memref<10000x128xf32, #tpu.memory_space<vmem>>, %arg2: memref<1x128xf32, #tpu.memory_space<vmem>>, %arg3: memref<1x128xf32, #tpu.memory_space<vmem>>, %arg4: memref<128x128xf32, #tpu.memory_space<vmem>>, %arg5: memref<1x128xf32, #tpu.memory_space<vmem>>, %arg6: memref<128x128xf32, #tpu.memory_space<vmem>>, %arg7: memref<1x128xf32, #tpu.memory_space<vmem>>, %arg8: memref<128x128xf32, #tpu.memory_space<vmem>>, %arg9: memref<1x128xf32, #tpu.memory_space<vmem>>, %arg10: memref<128x256xf32, #tpu.memory_space<vmem>>, %arg11: memref<1x256xf32, #tpu.memory_space<vmem>>, %arg12: memref<1x1xf32, #tpu.memory_space<vmem>>, %arg13: memref<1x128xf32, #tpu.memory_space<vmem>>, %arg14: memref<128x128xf32, #tpu.memory_space<vmem>>, %arg15: memref<1x128xf32, #tpu.memory_space<vmem>>, %arg16: memref<128x256xf32, #tpu.memory_space<vmem>>, %arg17: memref<1x256xf32, #tpu.memory_space<vmem>>, %arg18: memref<1x1xf32, #tpu.memory_space<vmem>>, %arg19: memref<1x128xf32, #tpu.memory_space<vmem>>, %arg20: memref<128x128xf32, #tpu.memory_space<vmem>>, %arg21: memref<1x128xf32, #tpu.memory_space<vmem>>, %arg22: memref<128x256xf32, #tpu.memory_space<vmem>>, %arg23: memref<1x256xf32, #tpu.memory_space<vmem>>, %arg24: memref<1x1xf32, #tpu.memory_space<vmem>>, %arg25: memref<1x128xf32, #tpu.memory_space<vmem>>, %arg26: memref<10000x128xf32, #tpu.memory_space<vmem>>) attributes {dimension_semantics = [], scalar_prefetch = 0 : i64, scratch_operands = 0 : i64, tpu.core_type = #tpu.core_type<tc>} {
    %get3A = arith.constant 0 : index
    %get3A_0 = arith.constant 0 : index
    %get3A_1 = arith.constant 0 : index
    %get3A_2 = vector.load %arg0[%get3A, %get3A_0, %get3A_1] : memref<2x10112x128xf32, #tpu.memory_space<vmem>>, vector<2x10112x128xf32>
    %slice3A = vector.extract_strided_slice %get3A_2 {offsets = [0, 0, 0], sizes = [1, 10000, 128], strides = [1, 1, 1]} : vector<2x10112x128xf32> to vector<1x10000x128xf32>
    %squeeze3A = vector.shape_cast %slice3A : vector<1x10000x128xf32> to vector<10000x128xf32>
    %slice3A_3 = vector.extract_strided_slice %get3A_2 {offsets = [1, 0, 0], sizes = [1, 10000, 128], strides = [1, 1, 1]} : vector<2x10112x128xf32> to vector<1x10000x128xf32>
    %squeeze3A_4 = vector.shape_cast %slice3A_3 : vector<1x10000x128xf32> to vector<10000x128xf32>
    %add3A = arith.addf %squeeze3A, %squeeze3A_4 : vector<10000x128xf32>
    %get3A_5 = arith.constant 0 : index
    %get3A_6 = arith.constant 0 : index
    %get3A_7 = vector.load %arg3[%get3A_5, %get3A_6] : memref<1x128xf32, #tpu.memory_space<vmem>>, vector<1x128xf32>
    %add3A_8 = vector.broadcast %get3A_7 : vector<1x128xf32> to vector<10000x128xf32>
    %add3A_9 = arith.addf %add3A, %add3A_8 : vector<10000x128xf32>
    %get3A_10 = arith.constant 0 : index
    %get3A_11 = arith.constant 0 : index
    %get3A_12 = vector.load %arg4[%get3A_10, %get3A_11] : memref<128x128xf32, #tpu.memory_space<vmem>>, vector<128x128xf32>
    %dot_general3A = arith.constant dense<0.000000e+00> : vector<10000x128xf32>
    %dot_general3A_13 = tpu.matmul %add3A_9, %get3A_12, %dot_general3A {dimension_numbers = #tpu.dot_dimension_numbers<[1], [0], [0], [1], [0, 0, 1, 1], [], []>, transpose_lhs_hint = false} : vector<10000x128xf32>, vector<128x128xf32>, vector<10000x128xf32> -> vector<10000x128xf32>
    %add3A_14 = arith.addf %add3A_9, %dot_general3A_13 : vector<10000x128xf32>
    %get3A_15 = arith.constant 0 : index
    %get3A_16 = arith.constant 0 : index
    %get3A_17 = vector.load %arg5[%get3A_15, %get3A_16] : memref<1x128xf32, #tpu.memory_space<vmem>>, vector<1x128xf32>
    %add3A_18 = vector.broadcast %get3A_17 : vector<1x128xf32> to vector<10000x128xf32>
    %add3A_19 = arith.addf %add3A_14, %add3A_18 : vector<10000x128xf32>
    %get3A_20 = arith.constant 0 : index
    %get3A_21 = arith.constant 0 : index
    %get3A_22 = vector.load %arg1[%get3A_20, %get3A_21] : memref<10000x128xf32, #tpu.memory_space<vmem>>, vector<10000x128xf32>
    %get3A_23 = arith.constant 0 : index
    %get3A_24 = arith.constant 0 : index
    %get3A_25 = vector.load %arg8[%get3A_23, %get3A_24] : memref<128x128xf32, #tpu.memory_space<vmem>>, vector<128x128xf32>
    %dot_general3A_26 = arith.constant dense<0.000000e+00> : vector<10000x128xf32>
    %dot_general3A_27 = tpu.matmul %get3A_22, %get3A_25, %dot_general3A_26 {dimension_numbers = #tpu.dot_dimension_numbers<[1], [0], [0], [1], [0, 0, 1, 1], [], []>, transpose_lhs_hint = false} : vector<10000x128xf32>, vector<128x128xf32>, vector<10000x128xf32> -> vector<10000x128xf32>
    %get3A_28 = arith.constant 0 : index
    %get3A_29 = arith.constant 0 : index
    %get3A_30 = vector.load %arg9[%get3A_28, %get3A_29] : memref<1x128xf32, #tpu.memory_space<vmem>>, vector<1x128xf32>
    %add3A_31 = vector.broadcast %get3A_30 : vector<1x128xf32> to vector<10000x128xf32>
    %add3A_32 = arith.addf %dot_general3A_27, %add3A_31 : vector<10000x128xf32>
    %get3A_33 = arith.constant 0 : index
    %get3A_34 = arith.constant 0 : index
    %get3A_35 = vector.load %arg2[%get3A_33, %get3A_34] : memref<1x128xf32, #tpu.memory_space<vmem>>, vector<1x128xf32>
    %get3A_36 = arith.constant 0 : index
    %get3A_37 = arith.constant 0 : index
    %get3A_38 = vector.load %arg10[%get3A_36, %get3A_37] : memref<128x256xf32, #tpu.memory_space<vmem>>, vector<128x256xf32>
    %get3A_39 = arith.constant 0 : index
    %get3A_40 = arith.constant 0 : index
    %get3A_41 = vector.load %arg11[%get3A_39, %get3A_40] : memref<1x256xf32, #tpu.memory_space<vmem>>, vector<1x256xf32>
    %get3A_42 = arith.constant 0 : index
    %get3A_43 = arith.constant 0 : index
    %get3A_44 = vector.load %arg12[%get3A_42, %get3A_43] : memref<1x1xf32, #tpu.memory_space<vmem>>, vector<1x1xf32>
    %get3A_45 = arith.constant 0 : index
    %get3A_46 = arith.constant 0 : index
    %get3A_47 = vector.load %arg13[%get3A_45, %get3A_46] : memref<1x128xf32, #tpu.memory_space<vmem>>, vector<1x128xf32>
    %mul3A = vector.broadcast %get3A_44 : vector<1x1xf32> to vector<1x128xf32>
    %mul3A_48 = arith.mulf %get3A_47, %mul3A : vector<1x128xf32>
    %add3A_49 = vector.broadcast %mul3A_48 : vector<1x128xf32> to vector<10000x128xf32>
    %add3A_50 = arith.addf %add3A_32, %add3A_49 : vector<10000x128xf32>
    %dot_general3A_51 = arith.constant dense<0.000000e+00> : vector<1x256xf32>
    %dot_general3A_52 = tpu.matmul %get3A_35, %get3A_38, %dot_general3A_51 {dimension_numbers = #tpu.dot_dimension_numbers<[1], [0], [0], [1], [0, 0, 1, 1], [], []>, transpose_lhs_hint = false} : vector<1x128xf32>, vector<128x256xf32>, vector<1x256xf32> -> vector<1x256xf32>
    %add3A_53 = arith.addf %dot_general3A_52, %get3A_41 : vector<1x256xf32>
    %slice3A_54 = vector.extract_strided_slice %add3A_53 {offsets = [0, 0], sizes = [1, 128], strides = [1, 1]} : vector<1x256xf32> to vector<1x128xf32>
    %slice3A_55 = vector.extract_strided_slice %add3A_53 {offsets = [0, 128], sizes = [1, 128], strides = [1, 1]} : vector<1x256xf32> to vector<1x128xf32>
    %reduce_sum3A = arith.constant dense<0.000000e+00> : vector<128xf32>
    %reduce_sum3A_56 = vector.multi_reduction <add>, %add3A_50, %reduce_sum3A [0] : vector<10000x128xf32> to vector<128xf32>
    %broadcast_in_dim3A = vector.shape_cast %reduce_sum3A_56 : vector<128xf32> to vector<1x128xf32>
    %div3A = arith.constant 1.000000e+04 : f32
    %div3A_57 = vector.broadcast %div3A : f32 to vector<1x128xf32>
    %div3A_58 = arith.divf %broadcast_in_dim3A, %div3A_57 : vector<1x128xf32>
    %sub3A = vector.broadcast %div3A_58 : vector<1x128xf32> to vector<10000x128xf32>
    %sub3A_59 = arith.subf %add3A_50, %sub3A : vector<10000x128xf32>
    %mul3A_60 = arith.mulf %sub3A_59, %sub3A_59 : vector<10000x128xf32>
    %reduce_sum3A_61 = arith.constant dense<0.000000e+00> : vector<128xf32>
    %reduce_sum3A_62 = vector.multi_reduction <add>, %mul3A_60, %reduce_sum3A_61 [0] : vector<10000x128xf32> to vector<128xf32>
    %broadcast_in_dim3A_63 = vector.shape_cast %reduce_sum3A_62 : vector<128xf32> to vector<1x128xf32>
    %div3A_64 = arith.constant 1.000000e+04 : f32
    %div3A_65 = vector.broadcast %div3A_64 : f32 to vector<1x128xf32>
    %div3A_66 = arith.divf %broadcast_in_dim3A_63, %div3A_65 : vector<1x128xf32>
    %add3A_67 = arith.constant 9.99999974E-6 : f32
    %add3A_68 = vector.broadcast %add3A_67 : f32 to vector<1x128xf32>
    %add3A_69 = arith.addf %div3A_66, %add3A_68 : vector<1x128xf32>
    %rsqrt3A = math.rsqrt %add3A_69 : vector<1x128xf32>
    %mul3A_70 = vector.broadcast %rsqrt3A : vector<1x128xf32> to vector<10000x128xf32>
    %mul3A_71 = arith.mulf %sub3A_59, %mul3A_70 : vector<10000x128xf32>
    %mul3A_72 = vector.broadcast %slice3A_54 : vector<1x128xf32> to vector<10000x128xf32>
    %mul3A_73 = arith.mulf %mul3A_72, %mul3A_71 : vector<10000x128xf32>
    %add3A_74 = vector.broadcast %slice3A_55 : vector<1x128xf32> to vector<10000x128xf32>
    %add3A_75 = arith.addf %mul3A_73, %add3A_74 : vector<10000x128xf32>
    %ge3A = arith.constant 0.000000e+00 : f32
    %ge3A_76 = vector.broadcast %ge3A : f32 to vector<10000x128xf32>
    %ge3A_77 = arith.cmpf oge, %add3A_75, %ge3A_76 : vector<10000x128xf32>
    %mul3A_78 = arith.constant 0.00999999977 : f32
    %mul3A_79 = vector.broadcast %mul3A_78 : f32 to vector<10000x128xf32>
    %mul3A_80 = arith.mulf %mul3A_79, %add3A_75 : vector<10000x128xf32>
    %select_n3A = arith.select %ge3A_77, %add3A_75, %mul3A_80 : vector<10000x128xi1>, vector<10000x128xf32>
    %add3A_81 = arith.addf %add3A_19, %select_n3A : vector<10000x128xf32>
    %get3A_82 = arith.constant 0 : index
    %get3A_83 = arith.constant 0 : index
    %get3A_84 = vector.load %arg6[%get3A_82, %get3A_83] : memref<128x128xf32, #tpu.memory_space<vmem>>, vector<128x128xf32>
    %dot_general3A_85 = arith.constant dense<0.000000e+00> : vector<10000x128xf32>
    %dot_general3A_86 = tpu.matmul %select_n3A, %get3A_84, %dot_general3A_85 {dimension_numbers = #tpu.dot_dimension_numbers<[1], [0], [0], [1], [0, 0, 1, 1], [], []>, transpose_lhs_hint = false} : vector<10000x128xf32>, vector<128x128xf32>, vector<10000x128xf32> -> vector<10000x128xf32>
    %add3A_87 = arith.addf %add3A_81, %dot_general3A_86 : vector<10000x128xf32>
    %get3A_88 = arith.constant 0 : index
    %get3A_89 = arith.constant 0 : index
    %get3A_90 = vector.load %arg7[%get3A_88, %get3A_89] : memref<1x128xf32, #tpu.memory_space<vmem>>, vector<1x128xf32>
    %add3A_91 = vector.broadcast %get3A_90 : vector<1x128xf32> to vector<10000x128xf32>
    %add3A_92 = arith.addf %add3A_87, %add3A_91 : vector<10000x128xf32>
    %max3A = arith.constant 0.000000e+00 : f32
    %max3A_93 = vector.broadcast %max3A : f32 to vector<10000x128xf32>
    %max3A_94 = arith.maximumf %add3A_92, %max3A_93 : vector<10000x128xf32>
    %get3A_95 = arith.constant 0 : index
    %get3A_96 = arith.constant 0 : index
    %get3A_97 = vector.load %arg14[%get3A_95, %get3A_96] : memref<128x128xf32, #tpu.memory_space<vmem>>, vector<128x128xf32>
    %dot_general3A_98 = arith.constant dense<0.000000e+00> : vector<10000x128xf32>
    %dot_general3A_99 = tpu.matmul %max3A_94, %get3A_97, %dot_general3A_98 {dimension_numbers = #tpu.dot_dimension_numbers<[1], [0], [0], [1], [0, 0, 1, 1], [], []>, transpose_lhs_hint = false} : vector<10000x128xf32>, vector<128x128xf32>, vector<10000x128xf32> -> vector<10000x128xf32>
    %get3A_100 = arith.constant 0 : index
    %get3A_101 = arith.constant 0 : index
    %get3A_102 = vector.load %arg15[%get3A_100, %get3A_101] : memref<1x128xf32, #tpu.memory_space<vmem>>, vector<1x128xf32>
    %add3A_103 = vector.broadcast %get3A_102 : vector<1x128xf32> to vector<10000x128xf32>
    %add3A_104 = arith.addf %dot_general3A_99, %add3A_103 : vector<10000x128xf32>
    %get3A_105 = arith.constant 0 : index
    %get3A_106 = arith.constant 0 : index
    %get3A_107 = vector.load %arg2[%get3A_105, %get3A_106] : memref<1x128xf32, #tpu.memory_space<vmem>>, vector<1x128xf32>
    %get3A_108 = arith.constant 0 : index
    %get3A_109 = arith.constant 0 : index
    %get3A_110 = vector.load %arg16[%get3A_108, %get3A_109] : memref<128x256xf32, #tpu.memory_space<vmem>>, vector<128x256xf32>
    %get3A_111 = arith.constant 0 : index
    %get3A_112 = arith.constant 0 : index
    %get3A_113 = vector.load %arg17[%get3A_111, %get3A_112] : memref<1x256xf32, #tpu.memory_space<vmem>>, vector<1x256xf32>
    %get3A_114 = arith.constant 0 : index
    %get3A_115 = arith.constant 0 : index
    %get3A_116 = vector.load %arg18[%get3A_114, %get3A_115] : memref<1x1xf32, #tpu.memory_space<vmem>>, vector<1x1xf32>
    %get3A_117 = arith.constant 0 : index
    %get3A_118 = arith.constant 0 : index
    %get3A_119 = vector.load %arg19[%get3A_117, %get3A_118] : memref<1x128xf32, #tpu.memory_space<vmem>>, vector<1x128xf32>
    %mul3A_120 = vector.broadcast %get3A_116 : vector<1x1xf32> to vector<1x128xf32>
    %mul3A_121 = arith.mulf %get3A_119, %mul3A_120 : vector<1x128xf32>
    %add3A_122 = vector.broadcast %mul3A_121 : vector<1x128xf32> to vector<10000x128xf32>
    %add3A_123 = arith.addf %add3A_104, %add3A_122 : vector<10000x128xf32>
    %dot_general3A_124 = arith.constant dense<0.000000e+00> : vector<1x256xf32>
    %dot_general3A_125 = tpu.matmul %get3A_107, %get3A_110, %dot_general3A_124 {dimension_numbers = #tpu.dot_dimension_numbers<[1], [0], [0], [1], [0, 0, 1, 1], [], []>, transpose_lhs_hint = false} : vector<1x128xf32>, vector<128x256xf32>, vector<1x256xf32> -> vector<1x256xf32>
    %add3A_126 = arith.addf %dot_general3A_125, %get3A_113 : vector<1x256xf32>
    %slice3A_127 = vector.extract_strided_slice %add3A_126 {offsets = [0, 0], sizes = [1, 128], strides = [1, 1]} : vector<1x256xf32> to vector<1x128xf32>
    %slice3A_128 = vector.extract_strided_slice %add3A_126 {offsets = [0, 128], sizes = [1, 128], strides = [1, 1]} : vector<1x256xf32> to vector<1x128xf32>
    %reduce_sum3A_129 = arith.constant dense<0.000000e+00> : vector<128xf32>
    %reduce_sum3A_130 = vector.multi_reduction <add>, %add3A_123, %reduce_sum3A_129 [0] : vector<10000x128xf32> to vector<128xf32>
    %broadcast_in_dim3A_131 = vector.shape_cast %reduce_sum3A_130 : vector<128xf32> to vector<1x128xf32>
    %div3A_132 = arith.constant 1.000000e+04 : f32
    %div3A_133 = vector.broadcast %div3A_132 : f32 to vector<1x128xf32>
    %div3A_134 = arith.divf %broadcast_in_dim3A_131, %div3A_133 : vector<1x128xf32>
    %sub3A_135 = vector.broadcast %div3A_134 : vector<1x128xf32> to vector<10000x128xf32>
    %sub3A_136 = arith.subf %add3A_123, %sub3A_135 : vector<10000x128xf32>
    %mul3A_137 = arith.mulf %sub3A_136, %sub3A_136 : vector<10000x128xf32>
    %reduce_sum3A_138 = arith.constant dense<0.000000e+00> : vector<128xf32>
    %reduce_sum3A_139 = vector.multi_reduction <add>, %mul3A_137, %reduce_sum3A_138 [0] : vector<10000x128xf32> to vector<128xf32>
    %broadcast_in_dim3A_140 = vector.shape_cast %reduce_sum3A_139 : vector<128xf32> to vector<1x128xf32>
    %div3A_141 = arith.constant 1.000000e+04 : f32
    %div3A_142 = vector.broadcast %div3A_141 : f32 to vector<1x128xf32>
    %div3A_143 = arith.divf %broadcast_in_dim3A_140, %div3A_142 : vector<1x128xf32>
    %add3A_144 = arith.constant 9.99999974E-6 : f32
    %add3A_145 = vector.broadcast %add3A_144 : f32 to vector<1x128xf32>
    %add3A_146 = arith.addf %div3A_143, %add3A_145 : vector<1x128xf32>
    %rsqrt3A_147 = math.rsqrt %add3A_146 : vector<1x128xf32>
    %mul3A_148 = vector.broadcast %rsqrt3A_147 : vector<1x128xf32> to vector<10000x128xf32>
    %mul3A_149 = arith.mulf %sub3A_136, %mul3A_148 : vector<10000x128xf32>
    %mul3A_150 = vector.broadcast %slice3A_127 : vector<1x128xf32> to vector<10000x128xf32>
    %mul3A_151 = arith.mulf %mul3A_150, %mul3A_149 : vector<10000x128xf32>
    %add3A_152 = vector.broadcast %slice3A_128 : vector<1x128xf32> to vector<10000x128xf32>
    %add3A_153 = arith.addf %mul3A_151, %add3A_152 : vector<10000x128xf32>
    %ge3A_154 = arith.constant 0.000000e+00 : f32
    %ge3A_155 = vector.broadcast %ge3A_154 : f32 to vector<10000x128xf32>
    %ge3A_156 = arith.cmpf oge, %add3A_153, %ge3A_155 : vector<10000x128xf32>
    %mul3A_157 = arith.constant 0.00999999977 : f32
    %mul3A_158 = vector.broadcast %mul3A_157 : f32 to vector<10000x128xf32>
    %mul3A_159 = arith.mulf %mul3A_158, %add3A_153 : vector<10000x128xf32>
    %select_n3A_160 = arith.select %ge3A_156, %add3A_153, %mul3A_159 : vector<10000x128xi1>, vector<10000x128xf32>
    %get3A_161 = arith.constant 0 : index
    %get3A_162 = arith.constant 0 : index
    %get3A_163 = vector.load %arg20[%get3A_161, %get3A_162] : memref<128x128xf32, #tpu.memory_space<vmem>>, vector<128x128xf32>
    %dot_general3A_164 = arith.constant dense<0.000000e+00> : vector<10000x128xf32>
    %dot_general3A_165 = tpu.matmul %select_n3A_160, %get3A_163, %dot_general3A_164 {dimension_numbers = #tpu.dot_dimension_numbers<[1], [0], [0], [1], [0, 0, 1, 1], [], []>, transpose_lhs_hint = false} : vector<10000x128xf32>, vector<128x128xf32>, vector<10000x128xf32> -> vector<10000x128xf32>
    %get3A_166 = arith.constant 0 : index
    %get3A_167 = arith.constant 0 : index
    %get3A_168 = vector.load %arg21[%get3A_166, %get3A_167] : memref<1x128xf32, #tpu.memory_space<vmem>>, vector<1x128xf32>
    %add3A_169 = vector.broadcast %get3A_168 : vector<1x128xf32> to vector<10000x128xf32>
    %add3A_170 = arith.addf %dot_general3A_165, %add3A_169 : vector<10000x128xf32>
    %get3A_171 = arith.constant 0 : index
    %get3A_172 = arith.constant 0 : index
    %get3A_173 = vector.load %arg2[%get3A_171, %get3A_172] : memref<1x128xf32, #tpu.memory_space<vmem>>, vector<1x128xf32>
    %get3A_174 = arith.constant 0 : index
    %get3A_175 = arith.constant 0 : index
    %get3A_176 = vector.load %arg22[%get3A_174, %get3A_175] : memref<128x256xf32, #tpu.memory_space<vmem>>, vector<128x256xf32>
    %get3A_177 = arith.constant 0 : index
    %get3A_178 = arith.constant 0 : index
    %get3A_179 = vector.load %arg23[%get3A_177, %get3A_178] : memref<1x256xf32, #tpu.memory_space<vmem>>, vector<1x256xf32>
    %get3A_180 = arith.constant 0 : index
    %get3A_181 = arith.constant 0 : index
    %get3A_182 = vector.load %arg24[%get3A_180, %get3A_181] : memref<1x1xf32, #tpu.memory_space<vmem>>, vector<1x1xf32>
    %get3A_183 = arith.constant 0 : index
    %get3A_184 = arith.constant 0 : index
    %get3A_185 = vector.load %arg25[%get3A_183, %get3A_184] : memref<1x128xf32, #tpu.memory_space<vmem>>, vector<1x128xf32>
    %mul3A_186 = vector.broadcast %get3A_182 : vector<1x1xf32> to vector<1x128xf32>
    %mul3A_187 = arith.mulf %get3A_185, %mul3A_186 : vector<1x128xf32>
    %add3A_188 = vector.broadcast %mul3A_187 : vector<1x128xf32> to vector<10000x128xf32>
    %add3A_189 = arith.addf %add3A_170, %add3A_188 : vector<10000x128xf32>
    %dot_general3A_190 = arith.constant dense<0.000000e+00> : vector<1x256xf32>
    %dot_general3A_191 = tpu.matmul %get3A_173, %get3A_176, %dot_general3A_190 {dimension_numbers = #tpu.dot_dimension_numbers<[1], [0], [0], [1], [0, 0, 1, 1], [], []>, transpose_lhs_hint = false} : vector<1x128xf32>, vector<128x256xf32>, vector<1x256xf32> -> vector<1x256xf32>
    %add3A_192 = arith.addf %dot_general3A_191, %get3A_179 : vector<1x256xf32>
    %slice3A_193 = vector.extract_strided_slice %add3A_192 {offsets = [0, 0], sizes = [1, 128], strides = [1, 1]} : vector<1x256xf32> to vector<1x128xf32>
    %slice3A_194 = vector.extract_strided_slice %add3A_192 {offsets = [0, 128], sizes = [1, 128], strides = [1, 1]} : vector<1x256xf32> to vector<1x128xf32>
    %reduce_sum3A_195 = arith.constant dense<0.000000e+00> : vector<128xf32>
    %reduce_sum3A_196 = vector.multi_reduction <add>, %add3A_189, %reduce_sum3A_195 [0] : vector<10000x128xf32> to vector<128xf32>
    %broadcast_in_dim3A_197 = vector.shape_cast %reduce_sum3A_196 : vector<128xf32> to vector<1x128xf32>
    %div3A_198 = arith.constant 1.000000e+04 : f32
    %div3A_199 = vector.broadcast %div3A_198 : f32 to vector<1x128xf32>
    %div3A_200 = arith.divf %broadcast_in_dim3A_197, %div3A_199 : vector<1x128xf32>
    %sub3A_201 = vector.broadcast %div3A_200 : vector<1x128xf32> to vector<10000x128xf32>
    %sub3A_202 = arith.subf %add3A_189, %sub3A_201 : vector<10000x128xf32>
    %mul3A_203 = arith.mulf %sub3A_202, %sub3A_202 : vector<10000x128xf32>
    %reduce_sum3A_204 = arith.constant dense<0.000000e+00> : vector<128xf32>
    %reduce_sum3A_205 = vector.multi_reduction <add>, %mul3A_203, %reduce_sum3A_204 [0] : vector<10000x128xf32> to vector<128xf32>
    %broadcast_in_dim3A_206 = vector.shape_cast %reduce_sum3A_205 : vector<128xf32> to vector<1x128xf32>
    %div3A_207 = arith.constant 1.000000e+04 : f32
    %div3A_208 = vector.broadcast %div3A_207 : f32 to vector<1x128xf32>
    %div3A_209 = arith.divf %broadcast_in_dim3A_206, %div3A_208 : vector<1x128xf32>
    %add3A_210 = arith.constant 9.99999974E-6 : f32
    %add3A_211 = vector.broadcast %add3A_210 : f32 to vector<1x128xf32>
    %add3A_212 = arith.addf %div3A_209, %add3A_211 : vector<1x128xf32>
    %rsqrt3A_213 = math.rsqrt %add3A_212 : vector<1x128xf32>
    %mul3A_214 = vector.broadcast %rsqrt3A_213 : vector<1x128xf32> to vector<10000x128xf32>
    %mul3A_215 = arith.mulf %sub3A_202, %mul3A_214 : vector<10000x128xf32>
    %mul3A_216 = vector.broadcast %slice3A_193 : vector<1x128xf32> to vector<10000x128xf32>
    %mul3A_217 = arith.mulf %mul3A_216, %mul3A_215 : vector<10000x128xf32>
    %add3A_218 = vector.broadcast %slice3A_194 : vector<1x128xf32> to vector<10000x128xf32>
    %add3A_219 = arith.addf %mul3A_217, %add3A_218 : vector<10000x128xf32>
    %ge3A_220 = arith.constant 0.000000e+00 : f32
    %ge3A_221 = vector.broadcast %ge3A_220 : f32 to vector<10000x128xf32>
    %ge3A_222 = arith.cmpf oge, %add3A_219, %ge3A_221 : vector<10000x128xf32>
    %mul3A_223 = arith.constant 0.00999999977 : f32
    %mul3A_224 = vector.broadcast %mul3A_223 : f32 to vector<10000x128xf32>
    %mul3A_225 = arith.mulf %mul3A_224, %add3A_219 : vector<10000x128xf32>
    %select_n3A_226 = arith.select %ge3A_222, %add3A_219, %mul3A_225 : vector<10000x128xi1>, vector<10000x128xf32>
    %swap3A = arith.constant 0 : index
    %swap3A_227 = arith.constant 0 : index
    %swap3A_228 = vector.load %arg26[%swap3A, %swap3A_227] : memref<10000x128xf32, #tpu.memory_space<vmem>>, vector<10000x128xf32>
    tpu.vector_store %arg26[%swap3A, %swap3A_227], %select_n3A_226 {strides = array<i32>} : memref<10000x128xf32, #tpu.memory_space<vmem>>, vector<10000x128xf32>,
    return
  }
}

</mosaic_0001>

<sc_bundles>
// kernel: kernel.4.cloned.1.call-start
scs
__scs_entry_jumppad:
0x0: {  	(pc) =	sbr.rel $0x88, $3  }
0x1: {  	(tag) =	ssettag $0x0;
	lr =	simm.s32 $0x1  }
0x2: {  	[smem:$0x3F86] =	sst lr;
	_ =	strace $0xD0000000  }
0x3: {  	_ = 	snop  }
0x4: {  	_ = 	snop  }
0x5: {  	_ = 	snop  }
0x6: {  	_ = 	snop  }
0x7: {  	_ = 	snop  }
__scs_overlays_trampoline_lowered:
0x8: {  	[smem:$0x3F95] =	sst s0  }
0x9: {  	[smem:$0x3F96] =	sst s1  }
0xa: {  	[smem:$0x3F97] =	sst s2  }
0xb: {  	[smem:$0x3F98] =	sst s3  }
0xc: {  	[smem:$0x3F99] =	sst s4  }
0xd: {  	[smem:$0x3F9A] =	sst s5  }
0xe: {  	[smem:$0x3F9B] =	sst s6  }
0xf: {  	[smem:$0x3F9C] =	sst s7  }
0x10: {  	[smem:$0x3F9D] =	sst s8  }
0x11: {  	[smem:$0x3F9E] =	sst s9;
	s0 =	simm.s32 @!p0 $0x0  }
0x12: {  	s1 =	sld [smem:$0x3F84];
	s0 =	simm.s32 @p0 $0x1  }
0x13: {  	[smem:$0x3F9F] =	sst s0;
	s0 =	simm.s32 @!p1 $0x0  }
0x14: {  	s2 =	sld [smem:$0x3F83];
	s0 =	simm.s32 @p1 $0x1  }
0x15: {  	[smem:$0x3FA0] =	sst s0;
	s0 =	simm.s32 @!p2 $0x0  }
0x16: {  	s3 =	sld [smem:$0x3FDB];
	s0 =	simm.s32 @p2 $0x1  }
0x17: {  	s4 =	simm.s32 $0x1BF5;
	[smem:$0x3FA2] =	sst s0  }
0x18: {  	s0 =	sld [smem:$0x3F85];
	_ =	swait.ge [sflag:s4], $0x0  }
0x19: {  	s7 =	sld [smem:$0x3F86]  }
0x1a: {  	s8 =	sadd.s32 $0xFFFFE003, lr  }
0x1b: {  	s9 =	sadd.s32 $0xFFFFFEF7, lr;
	s5 =	simm.s32 $0xFFFFFFFF;
	p2 =	slt.u32 s8, $0xFFFFF086  }
0x1c: {  	p1 =	slt.u32 s9, $0xF7A;
	s5 =	simm.s32 @!p2 $0x0  }
0x1d: {  	s5 =	simm.s32 @p1 $0x1;
	p0 =	seq.s32 s7, s2  }
0x1e: {  	s7 =	smul.u32 @!p0 $0xF7A, s2;
	p2 =	seq.s32 @!p0 s5, $0x0  }
0x1f: {  	s9 =	smul.u32 $0xF7A, s1;
	s8 =	simm.s32 @!p0 $0x1BF5;
	p2 =	por !p2, p0  }
0x20: {  	[sflag:s8] =	ssyncset.s32 @!p0 $0xFFFFF086;
	s6 =	sadd.s32 @!p0 s3, s7;
	s7 =	simm.s32 @!p0 $0x108  }
0x21: {  	s3 =	sadd.s32 s3, s9;
	s6 =	sadd.s32 @!p0 $0x88, s6;
	s7 =	simm.s32 @p2 $0x1082  }
0x22: {  	[simem:s7], [sflag:s8] =	dma.local @!p0 [hbm:s6], $0xF7A  }
0x23: {  	s9 =	sor.u32 $0xD0000000, s2;
	s6 =	simm.s32 $0x108;
	_ =	swait.ge @!p0 [sflag:s8], $0x0  }
0x24: {  	s3 =	sadd.s32 $0x88, s3;
	s6 =	simm.s32 @!p1 $0x1082;
	[sflag:s4] =	ssyncset.s32 $0xFFFFF086  }
0x25: {  	[simem:s6], [sflag:s4] =	dma.local [hbm:s3], $0xF7A  }
0x26: {  	[smem:$0x3F86] =	sst s1;
	(tag) =	ssettag s2;
	_ =	strace s9  }
0x27: {  	s1 =	sld [smem:$0x3F96]  }
0x28: {  	s2 =	sld [smem:$0x3F97]  }
0x29: {  	s4 =	sld [smem:$0x3F99]  }
0x2a: {  	p0 =	seq.s32 s5, $0x0;
	s5 =	sld [smem:$0x3F9A]  }
0x2b: {  	s6 =	sld [smem:$0x3F9B]  }
0x2c: {  	s7 =	sld [smem:$0x3F9C]  }
0x2d: {  	s3 =	simm.s32 $0x108;
	s8 =	sld [smem:$0x3F9D]  }
0x2e: {  	s3 =	simm.s32 @!p0 $0x1082;
	s9 =	sld [smem:$0x3F9E]  }
0x2f: {  	lr =	sadd.s32 s0, s3;
	s0 =	sld [smem:$0x3F95]  }
0x30: {  	s3 =	sld [smem:$0x3F98]  }
0x31: {  	[smem:$0x3FA1] =	sst s10  }
0x32: {  	s10 =	sld [smem:$0x3F9F];
	_ =	sdelay $0x3  }
0x33: {  	p0 =	seq.s32 s10, $0x1;
	s10 =	sld [smem:$0x3FA1];
	_ =	sdelay $0x3  }
0x34: {  	[smem:$0x3FA1] =	sst s10  }
0x35: {  	s10 =	sld [smem:$0x3FA0];
	_ =	sdelay $0x3  }
0x36: {  	p1 =	seq.s32 s10, $0x1;
	s10 =	sld [smem:$0x3FA1];
	_ =	sdelay $0x3  }
0x37: {  	[smem:$0x3FA1] =	sst s10  }
0x38: {  	s10 =	sld [smem:$0x3FA2]  }
0x39: {  	_ = 	snop;
	(pc) =	sbr.ind lr, $3  }
0x3a: {  	_ = 	snop  }
0x3b: {  	_ = 	snop  }
0x3c: {  	p2 =	seq.s32 s10, $0x1;
	s10 =	sld [smem:$0x3FA1]  }
0x3d: {  	_ =	shalt  }
0x3e: {  	_ =	shalt  }
0x3f: {  	_ =	shalt  }
0x40: {  	_ =	shalt  }
0x41: {  	_ =	shalt  }
0x42: {  	_ =	shalt  }
0x43: {  	_ =	shalt  }
0x44: {  	_ =	shalt  }
0x45: {  	_ =	shalt  }
0x46: {  	_ =	shalt  }
0x47: {  	_ =	shalt  }
0x48: {  	_ =	shalt  }
0x49: {  	_ =	shalt  }
0x4a: {  	_ =	shalt  }
0x4b: {  	_ =	shalt  }
0x4c: {  	_ =	shalt  }
0x4d: {  	_ =	shalt  }
0x4e: {  	_ =	shalt  }
0x4f: {  	_ =	shalt  }
0x50: {  	_ =	shalt  }
0x51: {  	_ =	shalt  }
0x52: {  	_ =	shalt  }
0x53: {  	_ =	shalt  }
0x54: {  	_ =	shalt  }
0x55: {  	_ =	shalt  }
0x56: {  	_ =	shalt  }
0x57: {  	_ =	shalt  }
0x58: {  	_ =	shalt  }
0x59: {  	_ =	shalt  }
0x5a: {  	_ =	shalt  }
0x5b: {  	_ =	shalt  }
0x5c: {  	_ =	shalt  }
0x5d: {  	_ =	shalt  }
0x5e: {  	_ =	shalt  }
0x5f: {  	_ =	shalt  }
0x60: {  	_ =	shalt  }
0x61: {  	_ =	shalt  }
0x62: {  	_ =	shalt  }
0x63: {  	_ =	shalt  }
0x64: {  	_ =	shalt  }
0x65: {  	_ =	shalt  }
0x66: {  	_ =	shalt  }
0x67: {  	_ =	shalt  }
0x68: {  	_ =	shalt  }
0x69: {  	_ =	shalt  }
0x6a: {  	_ =	shalt  }
0x6b: {  	_ =	shalt  }
0x6c: {  	_ =	shalt  }
0x6d: {  	_ =	shalt  }
0x6e: {  	_ =	shalt  }
0x6f: {  	_ =	shalt  }
0x70: {  	_ =	shalt  }
0x71: {  	_ =	shalt  }
0x72: {  	_ =	shalt  }
0x73: {  	_ =	shalt  }
0x74: {  	_ =	shalt  }
0x75: {  	_ =	shalt  }
0x76: {  	_ =	shalt  }
0x77: {  	_ =	shalt  }
0x78: {  	_ =	shalt  }
0x79: {  	_ =	shalt  }
0x7a: {  	_ =	shalt  }
0x7b: {  	_ =	shalt  }
0x7c: {  	_ =	shalt  }
0x7d: {  	_ =	shalt  }
0x7e: {  	_ =	shalt  }
0x7f: {  	_ =	shalt  }
0x80: {  	_ =	shalt  }
0x81: {  	_ =	shalt  }
0x82: {  	_ =	shalt  }
0x83: {  	_ =	shalt  }
0x84: {  	_ =	shalt  }
0x85: {  	_ =	shalt  }
0x86: {  	_ =	shalt  }
0x87: {  	_ =	shalt  }
.Lfunc_end0:
.L_simem_size_0:
called_computation_lowered:
.L_overlay_start_0:
0x88: {  	s2 =	sld [smem:$0x3FD9]  }
0x89: {  	s3 =	sld [smem:$0x3FFE];
	_ =	sdelay $0x1  }
0x8a: {  	s1 =	srdreg.scid  }
0x8b: {  	s0 =	sand.u32 $0x1, s1  }
0x8c: {  	s17 =	sshll.u32 s0, $0xA;
	s2 =	sadd.s32 s3, s2  }
0x8d: {  	s2 =	sadd.s32 s2, s17  }
0x8e: {  	[smem:$0x3FAD] =	sst s2  }
0x8f: {  	_ = 	snop  }
0x90: {  	s2 =	sld [smem:$0x3FC6]  }
0x91: {  	s18 =	sld [smem:$0x3FD0];
	(tm) =	ssettm $0x1  }
0x92: {  	s4 =	sld [smem:$0x3FFB];
	_ =	sdelay $0x3  }
0x93: {  	_ =	strace s4  }
0x94: {  	s4 =	sld [smem:$0x3FFC];
	_ =	sdelay $0x3  }
0x95: {  	_ =	strace s4  }
0x96: {  	s4 =	sld [smem:$0x3FFD];
	_ =	sdelay $0x3  }
0x97: {  	_ =	strace s4  }
0x98: {  	_ =	strace $0x8FFFFFFF  }
0x99: {  	s19 =	sld [smem:$0x3FDB];
	_ =	sdelay $0x1  }
0x9a: {  	s5 =	simm.s32 $_scs_section_size  }
0x9b: {  	s6 =	simm.s32 $_size__tile_overlayer_lowered;
	s7 =	simm.s32 $_tile_overlayer_lowered  }
0x9c: {  	s22 =	simm.s32 $0x1BFF;
	s21 =	sshll.u32 s7, $0x1;
	s4 =	sadd.s32 s5, s19  }
0x9d: {  	s8 =	simm.s32 $0x0;
	s20 =	sshll.u32 s6, $0x1;
	s6 =	sadd.s32 s21, s4  }
0x9e: {  	[timem:s8], [sflag:s22] =	dma.local [hbm:s6], s20  }
0x9f: {  	_ =	swait.ge [sflag:s22], s20  }
0xa0: {  	s5 =	ssub.s32 $0x0, s20;
	[sflag:s22] =	ssyncset.done $0x0  }
0xa1: {  	[sflag:s22] =	ssyncadd.s32 s5;
	_ =	sdelay $0x1  }
0xa2: {  	s23 =	simm.s32 $0x1B8B  }
0xa3: {  	_ =	swait.ge [sflag:s23], $0x1  }
0xa4: {  	[sflag:s23] =	ssyncset.done $0x0  }
0xa5: {  	s25 =	simm.s32 $0x1B8E;
	s24 =	sld [smem:$0x3FFE];
	[sflag:s23] =	ssyncadd.s32 $0xFFFFFFFF  }
0xa6: {  	s26 =	simm.s32 $execute0_lowered;
	[smem:$0x3FD2] =	sst s25  }
0xa7: {  	s6 =	sshll.u32 s26, $0x1;
	_ =	strace $0x80000046;
	[dreg:$0x1] =	wrdreg $0xFFFFFFFF  }
0xa8: {  	s28 =	simm.s32 $_size_execute0_lowered;
	s4 =	sadd.s32 s4, s6;
	[dreg:$0x0] =	wrdreg $0x0  }
0xa9: {  	s6 =	sshll.u32 s28, $0x1;
	[dreg:$0x2] =	wrdreg s4  }
0xaa: {  	[dreg:$0x3] =	wrdreg s6  }
0xab: {  	[dreg:$0x4] =	wrdreg $0xC0  }
0xac: {  	_ =	task [dreg:s8], $0x5FFFF  }
0xad: {  	[dreg:$0x1] =	wrdreg $0xFFFFFFFF  }
0xae: {  	[dreg:$0x0] =	wrdreg $0x60  }
0xaf: {  	[dreg:$0x2] =	wrdreg s18  }
0xb0: {  	[dreg:$0x3] =	wrdreg s24  }
0xb1: {  	[dreg:$0x4] =	wrdreg s2  }
0xb2: {  	[dreg:$0x5] =	wrdreg $0xA8000  }
0xb3: {  	[dreg:$0x6] =	wrdreg $0x9  }
0xb4: {  	_ =	task.clear_ibuf [dreg:s8], $0x7FFFF;
	_ =	strace $0x90000046  }
0xb5: {  	s29 =	simm.s32 $0x9;
	_ =	strace $0x80000048  }
0xb6: {  	_ =	swait.ge [sflag:s29], $0x1  }
0xb7: {  	[sflag:s29] =	ssyncadd.s32 $0xFFFFFFFF  }
0xb8: {  	_ =	strace $0x90000048  }
0xb9: {  	_ =	sfence  }
0xba: {  	s30 =	sld [smem:$0x0];
	_ =	sdelay $0x2  }
0xbb: {  	s31 =	sshll.u32 s1, $0xD;
	s1 =	sshrl.u32 s1, $0x2  }
0xbc: {  	s3 =	sand.u32 $0x4000, s31;
	s1 =	sadd.s32 s1, s30  }
0xbd: {  	s0 =	sor.u32 s3, s0;
	s1 =	sshll.u32 s1, $0x11  }
0xbe: {  	s0 =	sor.u32 s1, s0  }
0xbf: {  	s0 =	sadd.s32 $0x8F2B, s0  }
0xc0: {  	[sflag:s0] =	ssyncadd.remote.s32 $0x1  }
0xc1: {  	_ =	sfence.sel $0xFFFF  }
0xc2: {  	[dreg:$0x0] =	wrdreg $0xFFFFFFFF;
	(pc) =	sbr.abs _section_cstart, $3  }
0xc3: {  	[dreg:$0x1] =	wrdreg $0xFFFFFFFF  }
0xc4: {  	_ =	task.clear_ibuf [dreg:s8], $0x2FFFF;
	_ =	strace $0x9FFFFFFF  }
0xc5: {  	(tm) =	ssettm $0x7FFFFFFF  }
tec
execute0_lowered:
.L_overlay_start_1:
0x0: {  	(tag) =	ssettag $0x1  }
0x1: {  	s6 =	rddreg [dreg:$0x0]  }
0x2: {  	s7 =	rddreg [dreg:$0x1]  }
0x3: {  	s2 =	rddreg [dreg:$0x2]  }
0x4: {  	s0 =	srdreg.scid;
	s3 =	rddreg [dreg:$0x3]  }
0x5: {  	s4 =	simm.s32 $0x0;
	s15 =	simm.s32 $0x6800;
	s8 =	sand.u32 $0x1, s0  }
0x6: {  	s16 =	simm.s32 $0x1;
	s0 =	stileid.u32;
	s10 =	smul.u32 $0x13C000, s8  }
0x7: {  	s17 =	simm.s32 $0x0;
	[smem:$0x7FF] =	sst s4;
	s11 =	smul.u32 $0x13C00, s0  }
0x8: {  	s5 =	sadd.s32 $0xFA00, s7;
	s1 =	sshll.u32 s8, $0x4;
	s14 =	smul.u32 $0x4F000, s0  }
0x9: {  	s26 =	ssub.s32 $0x2, s8;
	s29 =	smul.u32 $0x2D, s8;
	s1 =	sor.u32 s0, s1  }
0xa: {  	s31 =	sshll.u32 s0, $0x6;
	s13 =	sshrl.u32 s26, $0x1;
	s9 =	smul.u32 $0x680, s1  }
0xb: {  	s1 =	rddreg [dreg:$0x4];
	_ =	strace $0x80000047;
	s10 =	sadd.s32 s11, s10  }
0xc: {  	s11 =	ssub.s32 s26, s13;
	s28 =	sshrl.u32 s14, $0x2;
	s14 =	simm.s32 $0x80  }
0xd: {  	s10 =	sshrl.u32 s10, $0x3;
	s30 =	sadd.s32 s28, s3;
	s12 =	sadd.s32 s9, s7  }
0xe: {  	s10 =	sadd.s32 s10, s7;
	s6 =	sadd.s32 s6, s9;
	s9 =	smax.u32 s11, $0x1  }
0xf: {  	s11 =	simm.s32 $0x2;
	s13 =	sshrl.u32 s30, $0x3;
	s7 =	sadd.s32 $0x2A00, s12  }
0x10: {  	s8 =	sadd.s32 $0x12200, s10;
	s10 =	ssub.s32 $0x65, s29;
	s12 =	sor.u32 $0x1C02, s31  }
.LBB2_1:
0x11: {  	[tilespmem:s4], [sflag:$0x2] =	stream.linear.gather [hbm4b:s6+s4], $0x3280, $0x38;
	[tilespmem:$0x1E400] =	vst v63  }
0x12: {  	_ =	swait.ge [sflag:s11], $0x3280  }
0x13: {  	[sflag:s11] =	ssyncset.done $0x0  }
0x14: {  	s18 =	simm.s32 $0x3400;
	[sflag:s11] =	ssyncadd.s32 $0xFFFFCD80  }
0x15: {  	[tilespmem:s18], [sflag:$0x2] =	stream.linear.gather [hbm4b:s7+s4], $0x3280, $0x38;
	[tilespmem:$0x1E400] =	vst v63  }
0x16: {  	_ =	swait.ge [sflag:s11], $0x3280  }
0x17: {  	[sflag:s11] =	ssyncset.done $0x0  }
0x18: {  	[sflag:s11] =	ssyncadd.s32 $0xFFFFCD80  }
0x19: {  	[spmem:s13], [sflag:s12] =	dma.local [hbm:s5], $0x2780  }
0x1a: {  	_ =	swait.ge [sflag:s11], $0x2780  }
0x1b: {  	[sflag:s11] =	ssyncset.done $0x0  }
0x1c: {  	[sflag:s11] =	ssyncadd.s32 $0xFFFFD880  }
0x1d: {  	[bflag:$0x0] =	sbarrier.arrive $0xFFFF  }
0x1e: {  	[tilespmem:s15], [sflag:$0x1] =	stream.indirect.gather [hbm4b:s2+s14], $0x80, s4, s14, $0xb8;
	[tilespmem:$0x1E400] =	vst v63  }
0x1f: {  	p0 =	sne.s32 s10, $0x1;
	_ =	swait.ge [sflag:s16], $0x4000  }
.Ltmp0:
0x20: {  	[sflag:s16] =	ssyncset.done $0x0;
	(pc) =	sbr.rel @!p0 .LBB2_3-.Ltmp0, $4  }
0x21: {  	[sflag:s16] =	ssyncadd.s32 $0xFFFFC000  }
0x22: {  	[spmem:s3] =	stream.indirect.scatter.add.f32 [tilespmem:s15], [sflag:$0x2], $0x80, s18, s14, $0xb8;
	[tilespmem:$0x1E400] =	vst v63  }
0x23: {  	_ =	swait.ge [sflag:s11], $0x4000  }
0x24: {  	s19 =	sadd.s32 $0xFFFFFFFF, s10;
	s20 =	simm.s32 $0x0;
	[sflag:s11] =	ssyncset.done $0x0  }
.LBB2_2:
0x25: {  	[sflag:s11] =	ssyncadd.s32 $0xFFFFC000;
	s20 =	sadd.s32 $0x80, s20;
	s18 =	sadd.s32 $0x80, s18  }
0x26: {  	[tilespmem:s15], [sflag:$0x1] =	stream.indirect.gather [hbm4b:s2+s14], $0x80, s20, s14, $0xb8;
	[tilespmem:$0x1E400] =	vst v63  }
0x27: {  	p0 =	sne.s32 s19, $0x1;
	s19 =	sadd.s32 $0xFFFFFFFF, s19;
	_ =	swait.ge [sflag:s16], $0x4000  }
.Ltmp1:
0x28: {  	[sflag:s16] =	ssyncset.done $0x0;
	(pc) =	sbr.rel @p0 .LBB2_2-.Ltmp1, $4  }
0x29: {  	[sflag:s16] =	ssyncadd.s32 $0xFFFFC000  }
0x2a: {  	[spmem:s3] =	stream.indirect.scatter.add.f32 [tilespmem:s15], [sflag:$0x2], $0x80, s18, s14, $0xb8;
	[tilespmem:$0x1E400] =	vst v63  }
0x2b: {  	_ =	swait.ge [sflag:s11], $0x4000  }
0x2c: {  	[sflag:s11] =	ssyncset.done $0x0  }
.LBB2_3:
0x2d: {  	s17 =	sadd.s32 $0x1, s17  }
0x2e: {  	[sflag:s11] =	ssyncadd.s32 $0xFFFFC000;
	p0 =	sne.s32 s17, s9  }
.Ltmp2:
0x2f: {  	[bflag:$0x0] =	sbarrier.arrive $0xFFFF;
	(pc) =	sbr.rel @p0 .LBB2_1-.Ltmp2, $4  }
0x30: {  	[hbm:s8], [sflag:s12] =	dma.local [spmem:s13], $0x2780  }
0x31: {  	_ =	swait.ge [sflag:s11], $0x2780  }
0x32: {  	[sflag:s11] =	ssyncset.done $0x0  }
0x33: {  	[sflag:s11] =	ssyncadd.s32 $0xFFFFD880  }
0x34: {  	_ =	sfence.sel $0x180000  }
0x35: {  	[bflag:$0x0] =	sbarrier.arrive $0xFFFF  }
0x36: {  	p0 =	sne.s32 s0, $0x0;
	_ =	strace $0x90000047  }
0x37: {  	s0 =	sadd.s32 @!p0 $0x100000, s1;
	[bflag:$0x2] =	sbarrier.arrive $0xFFFF  }
0x38: {  	[sflag:s0] =	ssyncadd.tile.s32 @!p0 $0x1;
	_ =	shalt  }
.Lfunc_end2:
_tile_overlayer_lowered:
.L_overlay_start_2:
0x39: {  	(tag) =	ssettag $0x2  }
0x3a: {  	s0 =	rddreg [dreg:$0x0];
	s2 =	stileid.u32  }
0x3b: {  	s1 =	rddreg [dreg:$0x1];
	p0 =	sne.s32 s2, $0x0  }
0x3c: {  	s3 =	rddreg [dreg:$0x2];
	[bflag:$0x3] =	sbarrier.arrive $0xFFFF;
	s2 =	simm.s32 @!p0 $0x1C02  }
0x3d: {  	[timem:s3], [sflag:s2] =	dma.local @!p0 [hbm:s0], s1  }
0x3e: {  	s0 =	simm.s32 @!p0 $0x2  }
0x3f: {  	_ =	swait.ge @!p0 [sflag:s0], s1  }
0x40: {  	s1 =	ssub.s32 @!p0 $0x0, s1;
	[sflag:s0] =	ssyncset.done @!p0 $0x0  }
0x41: {  	[sflag:s0] =	ssyncadd.s32 @!p0 s1  }
0x42: {  	[bflag:$0x3] =	sbarrier.arrive $0xFFFF  }
0x43: {  	_ =	shalt  }

</sc_bundles>
